<compile_context>
chip_gen: v7x
topology: tpu7x:2x2x1
jax: 0.10.2.dev20260603
libtpu: 0.0.44.dev20260713+nightly
codegen_flags: <defaults>
</compile_context>

<pallas_src>
import functools

import jax
import jax.numpy as jnp
from jax import lax
from jax.experimental import pallas as pl
from jax.experimental.pallas import tpu as pltpu
from jax.experimental.pallas import tpu_sc as plsc

D = 128
NC, NS = 2, 16
NW = NC * NS
CHUNK = 128


def _sc_aggregate(xp, src, dst, n_pad, c_per_tile):
    rows_per_tile = n_pad // NS
    e_tile = c_per_tile * CHUNK
    hist_rows = n_pad // D
    mesh = plsc.VectorSubcoreMesh(core_axis_name="c", subcore_axis_name="s")

    @functools.partial(
        pl.kernel,
        out_type=(
            jax.ShapeDtypeStruct((NC, n_pad, D), jnp.float32),
            jax.ShapeDtypeStruct((NC, NS, hist_rows, D), jnp.float32),
        ),
        mesh=mesh,
        compiler_params=pltpu.CompilerParams(
            use_tc_tiling_on_sc=False, needs_layout_passes=False),
        scratch_types=[
            pltpu.VMEM((e_tile,), jnp.int32),
            pltpu.VMEM((e_tile,), jnp.int32),
            pltpu.VMEM((CHUNK, D), jnp.float32),
            pltpu.VMEM((hist_rows, D), jnp.float32),
            pltpu.VMEM_SHARED((n_pad, D), jnp.float32),
            pltpu.SemaphoreType.DMA,
        ],
    )
    def k(xp_hbm, src_hbm, dst_hbm, out_hbm, cnt_hbm, src_all, dst_all, rows,
          hist, acc, sem):
        cid = lax.axis_index("c")
        sid = lax.axis_index("s")
        wid = cid * NS + sid

        pltpu.sync_copy(xp_hbm.at[pl.ds(n_pad - CHUNK, CHUNK)], rows)
        pltpu.sync_copy(xp_hbm.at[pl.ds(n_pad - hist_rows, hist_rows)], hist)

        @pl.loop(0, rows_per_tile // CHUNK)
        def _(kk):
            pltpu.sync_copy(
                rows, acc.at[pl.ds(sid * rows_per_tile + kk * CHUNK, CHUNK)])

        base = wid * e_tile
        pltpu.sync_copy(src_hbm.at[pl.ds(base, e_tile)], src_all)
        pltpu.sync_copy(dst_hbm.at[pl.ds(base, e_tile)], dst_all)

        plsc.subcore_barrier()

        ones16 = jnp.ones((16,), jnp.float32)

        @pl.loop(0, c_per_tile)
        def _(ci):
            h = pltpu.async_copy(
                xp_hbm.at[src_all.at[pl.ds(ci * CHUNK, CHUNK)]], rows, sem)
            for j in range(CHUNK // 16):
                dv = dst_all[pl.ds(ci * CHUNK + j * 16, 16)]
                ri = lax.shift_right_logical(dv, 7)
                ci2 = lax.bitwise_and(dv, 127)
                plsc.addupdate_scatter(hist, [ri, ci2], ones16)
            h.wait()
            pltpu.sync_copy(
                rows, acc.at[dst_all.at[pl.ds(ci * CHUNK, CHUNK)]], add=True)

        pltpu.sync_copy(hist, cnt_hbm.at[cid, sid])

        plsc.subcore_barrier()

        @pl.loop(0, rows_per_tile // CHUNK)
        def _(h):
            r0 = sid * rows_per_tile + h * CHUNK
            pltpu.sync_copy(acc.at[pl.ds(r0, CHUNK)], rows)
            pltpu.sync_copy(rows, out_hbm.at[cid, pl.ds(r0, CHUNK)])

    return k(xp, src, dst)


def _tc_update(partials, counts, xp, wt, b2, n_pad):
    blk = 1024
    grid = n_pad // blk

    def body(p_ref, c_ref, x_ref, wt_ref, b_ref, o_ref):
        s = p_ref[0] + p_ref[1] + x_ref[...]
        cnt = lax.dot_general(
            c_ref[...], jnp.ones((NW, 1), jnp.float32),
            ((( 0,), (0,)), ((), ())),
            preferred_element_type=jnp.float32) + 1.0
        aggr = s / jnp.maximum(cnt, 1.0)
        out = jnp.dot(aggr, wt_ref[...],
                      preferred_element_type=jnp.float32) + b_ref[...]
        nrm = jnp.sqrt(jnp.sum(out * out, axis=1, keepdims=True))
        o_ref[...] = out / jnp.maximum(nrm, 1e-12)

    return pl.pallas_call(
        body,
        grid=(grid,),
        in_specs=[
            pl.BlockSpec((NC, blk, D), lambda i: (0, i, 0)),
            pl.BlockSpec((NW, blk), lambda i: (0, i)),
            pl.BlockSpec((blk, D), lambda i: (i, 0)),
            pl.BlockSpec((D, D), lambda i: (0, 0)),
            pl.BlockSpec((1, D), lambda i: (0, 0)),
        ],
        out_specs=pl.BlockSpec((blk, D), lambda i: (i, 0)),
        out_shape=jax.ShapeDtypeStruct((n_pad, D), jnp.float32),
    )(partials, counts, xp, wt, b2)


def kernel(x, edge_index, W, b):
    n = x.shape[0]
    e = edge_index.shape[1]
    n_pad = ((n + 1 + 2047) // 2048) * 2048
    c_per_tile = (e + CHUNK * NW - 1) // (CHUNK * NW)
    e_pad = c_per_tile * CHUNK * NW
    e_tile = c_per_tile * CHUNK
    pad = e_pad - e

    src = edge_index[0].astype(jnp.int32)
    dst = edge_index[1].astype(jnp.int32)
    if pad > 0:
        dummy = n + (jnp.arange(pad, dtype=jnp.int32) % (n_pad - 1 - n))
        if pad % NW == 0:
            pad_per_tile = pad // NW
            real_per_tile = e_tile - pad_per_tile
            src = jnp.concatenate(
                [src.reshape(NW, real_per_tile),
                 jnp.zeros((NW, pad_per_tile), jnp.int32)], axis=1).reshape(-1)
            dst = jnp.concatenate(
                [dst.reshape(NW, real_per_tile),
                 dummy.reshape(NW, pad_per_tile)], axis=1).reshape(-1)
        else:
            src = jnp.concatenate([src, jnp.zeros((pad,), jnp.int32)])
            dst = jnp.concatenate([dst, dummy])

    xp = jnp.pad(x, ((0, n_pad - n), (0, 0)))

    partials, counts = _sc_aggregate(xp, src, dst, n_pad, c_per_tile)
    counts = counts.reshape(NW, n_pad)
    out = _tc_update(partials, counts, xp, W.T, b.reshape(1, D), n_pad)
    return out[:n]

# --- scband reference (transcript-rebuilt; emitter-appended) ---
"""Pipeline reference for scband-my-gcnnet-18459769438298 (READ-ONLY COPY).

The authoritative reference and input builder live on the scoring server;
editing this copy changes nothing except your own understanding.
"""

import jax, jax.numpy as jnp
import numpy as np

N_NODES = 10000
D_IN = 128
D_OUT = 128
N_EDGES = 320000
NORMALIZE = True


def setup_inputs(seed: int = 0) -> dict:
    key = jax.random.key(seed)
    k1, k2, k3, k4 = jax.random.split(key, 4)
    x = jax.random.normal(k1, (N_NODES, D_IN), dtype=jnp.float32)
    edge_index = jax.random.randint(k2, (2, N_EDGES), 0, N_NODES, dtype=jnp.int64)
    # Learned params of MySAGEConv.linear (nn.Linear(in, out, bias=True))
    bound = 1.0 / np.sqrt(D_IN)
    W = jax.random.uniform(k3, (D_OUT, D_IN), dtype=jnp.float32, minval=-bound, maxval=bound)
    b = jax.random.uniform(k4, (D_OUT,), dtype=jnp.float32, minval=-bound, maxval=bound)
    return {"x": x, "edge_index": edge_index, "W": W, "b": b}


def reference(x, edge_index, W, b):
    # MySAGEConv.forward: add_remaining_self_loops -> propagate(aggr='mean')
    # message: x_j (edge_weight is None) ; update: linear(aggr_out), optional L2 normalize
    N = x.shape[0]
    loop = jnp.arange(N, dtype=edge_index.dtype)
    src = jnp.concatenate([edge_index[0], loop])
    dst = jnp.concatenate([edge_index[1], loop])
    msgs = jnp.take(x, src, axis=0)                      # gather (x_j)
    summed = jax.ops.segment_sum(msgs, dst, num_segments=N)   # scatter-add
    counts = jax.ops.segment_sum(jnp.ones_like(src, dtype=x.dtype), dst, num_segments=N)
    aggr = summed / jnp.clip(counts, 1.0)[:, None]       # mean aggregation
    out = aggr @ W.T + b                                  # update: linear
    if NORMALIZE:
        out = out / jnp.clip(jnp.linalg.norm(out, ord=2, axis=-1, keepdims=True), 1e-12)
    return out

if __name__ == "__main__":
    import jax
    _d = setup_inputs()
    print(jax.jit(kernel)(*tuple(_d.values())))

</pallas_src>

<mosaic_0001>
#map = affine_map<(d0, d1) -> (0, 0)>
#map1 = affine_map<(d0, d1) -> (0)>
#map2 = affine_map<(d0, d1) -> (0, 0, 0)>
#map3 = affine_map<(d0, d1) -> (0, 0, 0, 0)>
module attributes {stable_mosaic.version = 14 : i64} {
  func.func @k(%arg0: i32, %arg1: i32, %arg2: memref<10240x128xf32, #tpu.memory_space<hbm>>, %arg3: memref<323584xi32, #tpu.memory_space<hbm>>, %arg4: memref<323584xi32, #tpu.memory_space<hbm>>, %arg5: memref<2x10240x128xf32, #tpu.memory_space<hbm>>, %arg6: memref<2x16x80x128xf32, #tpu.memory_space<hbm>>, %arg7: memref<10112xi32, #tpu.memory_space<vmem>>, %arg8: memref<10112xi32, #tpu.memory_space<vmem>>, %arg9: memref<128x128xf32, #tpu.memory_space<vmem>>, %arg10: memref<80x128xf32, #tpu.memory_space<vmem>>, %arg11: memref<10240x128xf32, #tpu.memory_space<vmem_shared>>, %arg12: memref<!tpu.dma_semaphore, #tpu.memory_space<semaphore_mem>>) attributes {dimension_semantics = [#tpu.dimension_semantics<core_parallel>, #tpu.dimension_semantics<subcore_parallel>], iteration_bounds = array<i64: 2, 16>, scalar_prefetch = 0 : i64, scratch_operands = 6 : i64, tpu.core_type = #tpu.core_type<sc_vector_subcore>, window_params = [{transform_indices = #map}, {transform_indices = #map1}, {transform_indices = #map1}, {transform_indices = #map2}, {transform_indices = #map3}]} {
    %mul3A = arith.constant 16 : i32
    %mul3A_0 = arith.muli %arg0, %mul3A : i32
    %add3A = arith.addi %mul3A_0, %arg1 : i32
    "tpu.region"() ({
      %run_scoped3A = tpu.sem_alloc : memref<!tpu.dma_semaphore, #tpu.memory_space<semaphore_mem>>
      %dma_start3A = arith.constant 10112 : i32
      %dma_start3A_19 = arith.constant 0 : i32
      %dma_start3A_20 = tpu.memref_slice %arg2[%dma_start3A, %dma_start3A_19] : memref<10240x128xf32, #tpu.memory_space<hbm>> -> memref<128x128xf32, #tpu.memory_space<hbm>>
      %dma_start3A_21 = arith.constant 10112 : i32
      %dma_start3A_22 = arith.constant 0 : i32
      %dma_start3A_23 = tpu.memref_slice %arg2[%dma_start3A_21, %dma_start3A_22] : memref<10240x128xf32, #tpu.memory_space<hbm>> -> memref<128x128xf32, #tpu.memory_space<hbm>>
      tpu.enqueue_dma source(%dma_start3A_23 : memref<128x128xf32, #tpu.memory_space<hbm>>) target(%arg9 : memref<128x128xf32, #tpu.memory_space<vmem>>) target_semaphore(%run_scoped3A : memref<!tpu.dma_semaphore, #tpu.memory_space<semaphore_mem>>)
      %dma_wait3A = arith.constant 10112 : i32
      %dma_wait3A_24 = arith.constant 0 : i32
      %dma_wait3A_25 = tpu.memref_slice %arg2[%dma_wait3A, %dma_wait3A_24] : memref<10240x128xf32, #tpu.memory_space<hbm>> -> memref<128x128xf32, #tpu.memory_space<hbm>>
      %dma_wait3A_26 = arith.constant 10112 : i32
      %dma_wait3A_27 = arith.constant 0 : i32
      %dma_wait3A_28 = tpu.memref_slice %arg2[%dma_wait3A_26, %dma_wait3A_27] : memref<10240x128xf32, #tpu.memory_space<hbm>> -> memref<128x128xf32, #tpu.memory_space<hbm>>
      tpu.wait_dma2 semaphore(%run_scoped3A : memref<!tpu.dma_semaphore, #tpu.memory_space<semaphore_mem>>) src(%dma_wait3A_28 : memref<128x128xf32, #tpu.memory_space<hbm>>) dst(%arg9 : memref<128x128xf32, #tpu.memory_space<vmem>>)
      tpu.yield
    }) : () -> ()
    "tpu.region"() ({
      %run_scoped3A = tpu.sem_alloc : memref<!tpu.dma_semaphore, #tpu.memory_space<semaphore_mem>>
      %dma_start3A = arith.constant 10160 : i32
      %dma_start3A_19 = arith.constant 0 : i32
      %dma_start3A_20 = tpu.memref_slice %arg2[%dma_start3A, %dma_start3A_19] : memref<10240x128xf32, #tpu.memory_space<hbm>> -> memref<80x128xf32, #tpu.memory_space<hbm>>
      %dma_start3A_21 = arith.constant 10160 : i32
      %dma_start3A_22 = arith.constant 0 : i32
      %dma_start3A_23 = tpu.memref_slice %arg2[%dma_start3A_21, %dma_start3A_22] : memref<10240x128xf32, #tpu.memory_space<hbm>> -> memref<80x128xf32, #tpu.memory_space<hbm>>
      tpu.enqueue_dma source(%dma_start3A_23 : memref<80x128xf32, #tpu.memory_space<hbm>>) target(%arg10 : memref<80x128xf32, #tpu.memory_space<vmem>>) target_semaphore(%run_scoped3A : memref<!tpu.dma_semaphore, #tpu.memory_space<semaphore_mem>>)
      %dma_wait3A = arith.constant 10160 : i32
      %dma_wait3A_24 = arith.constant 0 : i32
      %dma_wait3A_25 = tpu.memref_slice %arg2[%dma_wait3A, %dma_wait3A_24] : memref<10240x128xf32, #tpu.memory_space<hbm>> -> memref<80x128xf32, #tpu.memory_space<hbm>>
      %dma_wait3A_26 = arith.constant 10160 : i32
      %dma_wait3A_27 = arith.constant 0 : i32
      %dma_wait3A_28 = tpu.memref_slice %arg2[%dma_wait3A_26, %dma_wait3A_27] : memref<10240x128xf32, #tpu.memory_space<hbm>> -> memref<80x128xf32, #tpu.memory_space<hbm>>
      tpu.wait_dma2 semaphore(%run_scoped3A : memref<!tpu.dma_semaphore, #tpu.memory_space<semaphore_mem>>) src(%dma_wait3A_28 : memref<80x128xf32, #tpu.memory_space<hbm>>) dst(%arg10 : memref<80x128xf32, #tpu.memory_space<vmem>>)
      tpu.yield
    }) : () -> ()
    %scan3A = arith.constant 0 : i32
    %scan3A_1 = arith.constant 5 : i32
    %scan3A_2 = arith.addi %scan3A, %scan3A_1 : i32
    %scan3A_3 = arith.constant 1 : i32
    scf.for %scan3A_19 = %scan3A to %scan3A_2 step %scan3A_3  : i32 {
      %mul3A_20 = arith.constant 1 : i32
      %mul3A_21 = arith.muli %scan3A_19, %mul3A_20 : i32
      %add3A_22 = arith.constant 0 : i32
      %add3A_23 = arith.addi %add3A_22, %mul3A_21 : i32
      %mul3A_24 = arith.constant 640 : i32
      %mul3A_25 = arith.muli %arg1, %mul3A_24 : i32
      %mul3A_26 = arith.constant 128 : i32
      %mul3A_27 = arith.muli %add3A_23, %mul3A_26 : i32
      %add3A_28 = arith.addi %mul3A_25, %mul3A_27 : i32
      "tpu.region"() ({
        %run_scoped3A = tpu.sem_alloc : memref<!tpu.dma_semaphore, #tpu.memory_space<semaphore_mem>>
        %dma_start3A = arith.constant 0 : i32
        %dma_start3A_29 = tpu.memref_slice %arg11[%add3A_28, %dma_start3A] : memref<10240x128xf32, #tpu.memory_space<vmem_shared>> -> memref<128x128xf32, #tpu.memory_space<vmem_shared>>
        %dma_start3A_30 = arith.constant 0 : i32
        %dma_start3A_31 = tpu.memref_slice %arg11[%add3A_28, %dma_start3A_30] : memref<10240x128xf32, #tpu.memory_space<vmem_shared>> -> memref<128x128xf32, #tpu.memory_space<vmem_shared>>
        tpu.enqueue_dma source(%arg9 : memref<128x128xf32, #tpu.memory_space<vmem>>) target(%dma_start3A_31 : memref<128x128xf32, #tpu.memory_space<vmem_shared>>) target_semaphore(%run_scoped3A : memref<!tpu.dma_semaphore, #tpu.memory_space<semaphore_mem>>)
        %dma_wait3A = arith.constant 0 : i32
        %dma_wait3A_32 = tpu.memref_slice %arg11[%add3A_28, %dma_wait3A] : memref<10240x128xf32, #tpu.memory_space<vmem_shared>> -> memref<128x128xf32, #tpu.memory_space<vmem_shared>>
        %dma_wait3A_33 = arith.constant 0 : i32
        %dma_wait3A_34 = tpu.memref_slice %arg11[%add3A_28, %dma_wait3A_33] : memref<10240x128xf32, #tpu.memory_space<vmem_shared>> -> memref<128x128xf32, #tpu.memory_space<vmem_shared>>
        tpu.wait_dma2 semaphore(%run_scoped3A : memref<!tpu.dma_semaphore, #tpu.memory_space<semaphore_mem>>) src(%arg9 : memref<128x128xf32, #tpu.memory_space<vmem>>) dst(%dma_wait3A_34 : memref<128x128xf32, #tpu.memory_space<vmem_shared>>)
        tpu.yield
      }) : () -> ()
    }
    %scan3A_4 = arith.constant 5 : i32
    %mul3A_5 = arith.constant 10112 : i32
    %mul3A_6 = arith.muli %add3A, %mul3A_5 : i32
    "tpu.region"() ({
      %run_scoped3A = tpu.sem_alloc : memref<!tpu.dma_semaphore, #tpu.memory_space<semaphore_mem>>
      %dma_start3A = tpu.memref_slice %arg3[%mul3A_6] : memref<323584xi32, #tpu.memory_space<hbm>> -> memref<10112xi32, #tpu.memory_space<hbm>>
      %dma_start3A_19 = tpu.memref_slice %arg3[%mul3A_6] : memref<323584xi32, #tpu.memory_space<hbm>> -> memref<10112xi32, #tpu.memory_space<hbm>>
      tpu.enqueue_dma source(%dma_start3A_19 : memref<10112xi32, #tpu.memory_space<hbm>>) target(%arg7 : memref<10112xi32, #tpu.memory_space<vmem>>) target_semaphore(%run_scoped3A : memref<!tpu.dma_semaphore, #tpu.memory_space<semaphore_mem>>)
      %dma_wait3A = tpu.memref_slice %arg3[%mul3A_6] : memref<323584xi32, #tpu.memory_space<hbm>> -> memref<10112xi32, #tpu.memory_space<hbm>>
      %dma_wait3A_20 = tpu.memref_slice %arg3[%mul3A_6] : memref<323584xi32, #tpu.memory_space<hbm>> -> memref<10112xi32, #tpu.memory_space<hbm>>
      tpu.wait_dma2 semaphore(%run_scoped3A : memref<!tpu.dma_semaphore, #tpu.memory_space<semaphore_mem>>) src(%dma_wait3A_20 : memref<10112xi32, #tpu.memory_space<hbm>>) dst(%arg7 : memref<10112xi32, #tpu.memory_space<vmem>>)
      tpu.yield
    }) : () -> ()
    "tpu.region"() ({
      %run_scoped3A = tpu.sem_alloc : memref<!tpu.dma_semaphore, #tpu.memory_space<semaphore_mem>>
      %dma_start3A = tpu.memref_slice %arg4[%mul3A_6] : memref<323584xi32, #tpu.memory_space<hbm>> -> memref<10112xi32, #tpu.memory_space<hbm>>
      %dma_start3A_19 = tpu.memref_slice %arg4[%mul3A_6] : memref<323584xi32, #tpu.memory_space<hbm>> -> memref<10112xi32, #tpu.memory_space<hbm>>
      tpu.enqueue_dma source(%dma_start3A_19 : memref<10112xi32, #tpu.memory_space<hbm>>) target(%arg8 : memref<10112xi32, #tpu.memory_space<vmem>>) target_semaphore(%run_scoped3A : memref<!tpu.dma_semaphore, #tpu.memory_space<semaphore_mem>>)
      %dma_wait3A = tpu.memref_slice %arg4[%mul3A_6] : memref<323584xi32, #tpu.memory_space<hbm>> -> memref<10112xi32, #tpu.memory_space<hbm>>
      %dma_wait3A_20 = tpu.memref_slice %arg4[%mul3A_6] : memref<323584xi32, #tpu.memory_space<hbm>> -> memref<10112xi32, #tpu.memory_space<hbm>>
      tpu.wait_dma2 semaphore(%run_scoped3A : memref<!tpu.dma_semaphore, #tpu.memory_space<semaphore_mem>>) src(%dma_wait3A_20 : memref<10112xi32, #tpu.memory_space<hbm>>) dst(%arg8 : memref<10112xi32, #tpu.memory_space<vmem>>)
      tpu.yield
    }) : () -> ()
    %barrier3A = arith.constant 0 : index
    tpu.barrier barrier_id(%barrier3A)
    %broadcast_in_dim3A = arith.constant 1.000000e+00 : f32
    %broadcast_in_dim3A_7 = vector.broadcast %broadcast_in_dim3A : f32 to vector<16xf32>
    %scan3A_8 = arith.constant 0 : i32
    %scan3A_9 = arith.constant 79 : i32
    %scan3A_10 = arith.addi %scan3A_8, %scan3A_9 : i32
    %scan3A_11 = arith.constant 1 : i32
    scf.for %scan3A_19 = %scan3A_8 to %scan3A_10 step %scan3A_11  : i32 {
      %mul3A_20 = arith.constant 1 : i32
      %mul3A_21 = arith.muli %scan3A_19, %mul3A_20 : i32
      %add3A_22 = arith.constant 0 : i32
      %add3A_23 = arith.addi %add3A_22, %mul3A_21 : i32
      %mul3A_24 = arith.constant 128 : i32
      %mul3A_25 = arith.muli %add3A_23, %mul3A_24 : i32
      %dma_start3A = tpu.memref_slice %arg7[%mul3A_25] : memref<10112xi32, #tpu.memory_space<vmem>> -> memref<128xi32, #tpu.memory_space<vmem>>
      %dma_start3A_26 = arith.constant 0 : i32
      %dma_start3A_27 = arith.constant 0 : i32
      %dma_start3A_28 = tpu.memref_slice %arg2[%dma_start3A_26, %dma_start3A_27] : memref<10240x128xf32, #tpu.memory_space<hbm>> -> memref<10240x128xf32, #tpu.memory_space<hbm>>
      tpu.enqueue_indirect_dma source(%dma_start3A_28 : memref<10240x128xf32, #tpu.memory_space<hbm>>) target(%arg9 : memref<128x128xf32, #tpu.memory_space<vmem>>) offsets(%dma_start3A : memref<128xi32, #tpu.memory_space<vmem>>) semaphore(%arg12 : memref<!tpu.dma_semaphore, #tpu.memory_space<semaphore_mem>>)
      %mul3A_29 = arith.constant 128 : i32
      %mul3A_30 = arith.muli %add3A_23, %mul3A_29 : i32
      %add3A_31 = arith.constant 0 : i32
      %add3A_32 = arith.addi %mul3A_30, %add3A_31 : i32
      %get3A = arith.index_cast %add3A_32 : i32 to index
      %get3A_33 = tpu.vector_load %arg8[%get3A] {strides = array<i32>} : memref<10112xi32, #tpu.memory_space<vmem>>, vector<16xi32>,
      %shift_right_logical3A = arith.constant 7 : i32
      %shift_right_logical3A_34 = vector.broadcast %shift_right_logical3A : i32 to vector<16xi32>
      %shift_right_logical3A_35 = arith.shrui %get3A_33, %shift_right_logical3A_34 : vector<16xi32>
      %and3A = arith.constant 127 : i32
      %and3A_36 = vector.broadcast %and3A : i32 to vector<16xi32>
      %and3A_37 = arith.andi %get3A_33, %and3A_36 : vector<16xi32>
      tpu.vector_store_idx %arg10[%shift_right_logical3A_35, %and3A_37], %broadcast_in_dim3A_7 {add = true} : memref<80x128xf32, #tpu.memory_space<vmem>>[vector<16xi32>, vector<16xi32>], vector<16xf32>,
      %mul3A_38 = arith.constant 128 : i32
      %mul3A_39 = arith.muli %add3A_23, %mul3A_38 : i32
      %add3A_40 = arith.constant 16 : i32
      %add3A_41 = arith.addi %mul3A_39, %add3A_40 : i32
      %get3A_42 = arith.index_cast %add3A_41 : i32 to index
      %get3A_43 = tpu.vector_load %arg8[%get3A_42] {strides = array<i32>} : memref<10112xi32, #tpu.memory_space<vmem>>, vector<16xi32>,
      %shift_right_logical3A_44 = arith.constant 7 : i32
      %shift_right_logical3A_45 = vector.broadcast %shift_right_logical3A_44 : i32 to vector<16xi32>
      %shift_right_logical3A_46 = arith.shrui %get3A_43, %shift_right_logical3A_45 : vector<16xi32>
      %and3A_47 = arith.constant 127 : i32
      %and3A_48 = vector.broadcast %and3A_47 : i32 to vector<16xi32>
      %and3A_49 = arith.andi %get3A_43, %and3A_48 : vector<16xi32>
      tpu.vector_store_idx %arg10[%shift_right_logical3A_46, %and3A_49], %broadcast_in_dim3A_7 {add = true} : memref<80x128xf32, #tpu.memory_space<vmem>>[vector<16xi32>, vector<16xi32>], vector<16xf32>,
      %mul3A_50 = arith.constant 128 : i32
      %mul3A_51 = arith.muli %add3A_23, %mul3A_50 : i32
      %add3A_52 = arith.constant 32 : i32
      %add3A_53 = arith.addi %mul3A_51, %add3A_52 : i32
      %get3A_54 = arith.index_cast %add3A_53 : i32 to index
      %get3A_55 = tpu.vector_load %arg8[%get3A_54] {strides = array<i32>} : memref<10112xi32, #tpu.memory_space<vmem>>, vector<16xi32>,
      %shift_right_logical3A_56 = arith.constant 7 : i32
      %shift_right_logical3A_57 = vector.broadcast %shift_right_logical3A_56 : i32 to vector<16xi32>
      %shift_right_logical3A_58 = arith.shrui %get3A_55, %shift_right_logical3A_57 : vector<16xi32>
      %and3A_59 = arith.constant 127 : i32
      %and3A_60 = vector.broadcast %and3A_59 : i32 to vector<16xi32>
      %and3A_61 = arith.andi %get3A_55, %and3A_60 : vector<16xi32>
      tpu.vector_store_idx %arg10[%shift_right_logical3A_58, %and3A_61], %broadcast_in_dim3A_7 {add = true} : memref<80x128xf32, #tpu.memory_space<vmem>>[vector<16xi32>, vector<16xi32>], vector<16xf32>,
      %mul3A_62 = arith.constant 128 : i32
      %mul3A_63 = arith.muli %add3A_23, %mul3A_62 : i32
      %add3A_64 = arith.constant 48 : i32
      %add3A_65 = arith.addi %mul3A_63, %add3A_64 : i32
      %get3A_66 = arith.index_cast %add3A_65 : i32 to index
      %get3A_67 = tpu.vector_load %arg8[%get3A_66] {strides = array<i32>} : memref<10112xi32, #tpu.memory_space<vmem>>, vector<16xi32>,
      %shift_right_logical3A_68 = arith.constant 7 : i32
      %shift_right_logical3A_69 = vector.broadcast %shift_right_logical3A_68 : i32 to vector<16xi32>
      %shift_right_logical3A_70 = arith.shrui %get3A_67, %shift_right_logical3A_69 : vector<16xi32>
      %and3A_71 = arith.constant 127 : i32
      %and3A_72 = vector.broadcast %and3A_71 : i32 to vector<16xi32>
      %and3A_73 = arith.andi %get3A_67, %and3A_72 : vector<16xi32>
      tpu.vector_store_idx %arg10[%shift_right_logical3A_70, %and3A_73], %broadcast_in_dim3A_7 {add = true} : memref<80x128xf32, #tpu.memory_space<vmem>>[vector<16xi32>, vector<16xi32>], vector<16xf32>,
      %mul3A_74 = arith.constant 128 : i32
      %mul3A_75 = arith.muli %add3A_23, %mul3A_74 : i32
      %add3A_76 = arith.constant 64 : i32
      %add3A_77 = arith.addi %mul3A_75, %add3A_76 : i32
      %get3A_78 = arith.index_cast %add3A_77 : i32 to index
      %get3A_79 = tpu.vector_load %arg8[%get3A_78] {strides = array<i32>} : memref<10112xi32, #tpu.memory_space<vmem>>, vector<16xi32>,
      %shift_right_logical3A_80 = arith.constant 7 : i32
      %shift_right_logical3A_81 = vector.broadcast %shift_right_logical3A_80 : i32 to vector<16xi32>
      %shift_right_logical3A_82 = arith.shrui %get3A_79, %shift_right_logical3A_81 : vector<16xi32>
      %and3A_83 = arith.constant 127 : i32
      %and3A_84 = vector.broadcast %and3A_83 : i32 to vector<16xi32>
      %and3A_85 = arith.andi %get3A_79, %and3A_84 : vector<16xi32>
      tpu.vector_store_idx %arg10[%shift_right_logical3A_82, %and3A_85], %broadcast_in_dim3A_7 {add = true} : memref<80x128xf32, #tpu.memory_space<vmem>>[vector<16xi32>, vector<16xi32>], vector<16xf32>,
      %mul3A_86 = arith.constant 128 : i32
      %mul3A_87 = arith.muli %add3A_23, %mul3A_86 : i32
      %add3A_88 = arith.constant 80 : i32
      %add3A_89 = arith.addi %mul3A_87, %add3A_88 : i32
      %get3A_90 = arith.index_cast %add3A_89 : i32 to index
      %get3A_91 = tpu.vector_load %arg8[%get3A_90] {strides = array<i32>} : memref<10112xi32, #tpu.memory_space<vmem>>, vector<16xi32>,
      %shift_right_logical3A_92 = arith.constant 7 : i32
      %shift_right_logical3A_93 = vector.broadcast %shift_right_logical3A_92 : i32 to vector<16xi32>
      %shift_right_logical3A_94 = arith.shrui %get3A_91, %shift_right_logical3A_93 : vector<16xi32>
      %and3A_95 = arith.constant 127 : i32
      %and3A_96 = vector.broadcast %and3A_95 : i32 to vector<16xi32>
      %and3A_97 = arith.andi %get3A_91, %and3A_96 : vector<16xi32>
      tpu.vector_store_idx %arg10[%shift_right_logical3A_94, %and3A_97], %broadcast_in_dim3A_7 {add = true} : memref<80x128xf32, #tpu.memory_space<vmem>>[vector<16xi32>, vector<16xi32>], vector<16xf32>,
      %mul3A_98 = arith.constant 128 : i32
      %mul3A_99 = arith.muli %add3A_23, %mul3A_98 : i32
      %add3A_100 = arith.constant 96 : i32
      %add3A_101 = arith.addi %mul3A_99, %add3A_100 : i32
      %get3A_102 = arith.index_cast %add3A_101 : i32 to index
      %get3A_103 = tpu.vector_load %arg8[%get3A_102] {strides = array<i32>} : memref<10112xi32, #tpu.memory_space<vmem>>, vector<16xi32>,
      %shift_right_logical3A_104 = arith.constant 7 : i32
      %shift_right_logical3A_105 = vector.broadcast %shift_right_logical3A_104 : i32 to vector<16xi32>
      %shift_right_logical3A_106 = arith.shrui %get3A_103, %shift_right_logical3A_105 : vector<16xi32>
      %and3A_107 = arith.constant 127 : i32
      %and3A_108 = vector.broadcast %and3A_107 : i32 to vector<16xi32>
      %and3A_109 = arith.andi %get3A_103, %and3A_108 : vector<16xi32>
      tpu.vector_store_idx %arg10[%shift_right_logical3A_106, %and3A_109], %broadcast_in_dim3A_7 {add = true} : memref<80x128xf32, #tpu.memory_space<vmem>>[vector<16xi32>, vector<16xi32>], vector<16xf32>,
      %mul3A_110 = arith.constant 128 : i32
      %mul3A_111 = arith.muli %add3A_23, %mul3A_110 : i32
      %add3A_112 = arith.constant 112 : i32
      %add3A_113 = arith.addi %mul3A_111, %add3A_112 : i32
      %get3A_114 = arith.index_cast %add3A_113 : i32 to index
      %get3A_115 = tpu.vector_load %arg8[%get3A_114] {strides = array<i32>} : memref<10112xi32, #tpu.memory_space<vmem>>, vector<16xi32>,
      %shift_right_logical3A_116 = arith.constant 7 : i32
      %shift_right_logical3A_117 = vector.broadcast %shift_right_logical3A_116 : i32 to vector<16xi32>
      %shift_right_logical3A_118 = arith.shrui %get3A_115, %shift_right_logical3A_117 : vector<16xi32>
      %and3A_119 = arith.constant 127 : i32
      %and3A_120 = vector.broadcast %and3A_119 : i32 to vector<16xi32>
      %and3A_121 = arith.andi %get3A_115, %and3A_120 : vector<16xi32>
      tpu.vector_store_idx %arg10[%shift_right_logical3A_118, %and3A_121], %broadcast_in_dim3A_7 {add = true} : memref<80x128xf32, #tpu.memory_space<vmem>>[vector<16xi32>, vector<16xi32>], vector<16xf32>,
      %dma_wait3A = tpu.memref_slice %arg7[%mul3A_25] : memref<10112xi32, #tpu.memory_space<vmem>> -> memref<128xi32, #tpu.memory_space<vmem>>
      %dma_wait3A_122 = arith.constant 0 : i32
      %dma_wait3A_123 = arith.constant 0 : i32
      %dma_wait3A_124 = tpu.memref_slice %arg2[%dma_wait3A_122, %dma_wait3A_123] : memref<10240x128xf32, #tpu.memory_space<hbm>> -> memref<10240x128xf32, #tpu.memory_space<hbm>>
      tpu.wait_indirect_dma semaphore(%arg12 : memref<!tpu.dma_semaphore, #tpu.memory_space<semaphore_mem>>) src(%dma_wait3A_124 : memref<10240x128xf32, #tpu.memory_space<hbm>>) dst(%arg9 : memref<128x128xf32, #tpu.memory_space<vmem>>)
      %mul3A_125 = arith.constant 128 : i32
      %mul3A_126 = arith.muli %add3A_23, %mul3A_125 : i32
      "tpu.region"() ({
        %run_scoped3A = tpu.sem_alloc : memref<!tpu.dma_semaphore, #tpu.memory_space<semaphore_mem>>
        %dma_start3A_127 = tpu.memref_slice %arg8[%mul3A_126] : memref<10112xi32, #tpu.memory_space<vmem>> -> memref<128xi32, #tpu.memory_space<vmem>>
        %dma_start3A_128 = arith.constant 0 : i32
        %dma_start3A_129 = arith.constant 0 : i32
        %dma_start3A_130 = tpu.memref_slice %arg11[%dma_start3A_128, %dma_start3A_129] : memref<10240x128xf32, #tpu.memory_space<vmem_shared>> -> memref<10240x128xf32, #tpu.memory_space<vmem_shared>>
        tpu.enqueue_indirect_dma source(%arg9 : memref<128x128xf32, #tpu.memory_space<vmem>>) target(%dma_start3A_130 : memref<10240x128xf32, #tpu.memory_space<vmem_shared>>) offsets(%dma_start3A_127 : memref<128xi32, #tpu.memory_space<vmem>>) semaphore(%run_scoped3A : memref<!tpu.dma_semaphore, #tpu.memory_space<semaphore_mem>>) {add = true}
        %dma_wait3A_131 = tpu.memref_slice %arg8[%mul3A_126] : memref<10112xi32, #tpu.memory_space<vmem>> -> memref<128xi32, #tpu.memory_space<vmem>>
        %dma_wait3A_132 = arith.constant 0 : i32
        %dma_wait3A_133 = arith.constant 0 : i32
        %dma_wait3A_134 = tpu.memref_slice %arg11[%dma_wait3A_132, %dma_wait3A_133] : memref<10240x128xf32, #tpu.memory_space<vmem_shared>> -> memref<10240x128xf32, #tpu.memory_space<vmem_shared>>
        tpu.wait_indirect_dma semaphore(%run_scoped3A : memref<!tpu.dma_semaphore, #tpu.memory_space<semaphore_mem>>) src(%arg9 : memref<128x128xf32, #tpu.memory_space<vmem>>) dst(%dma_wait3A_134 : memref<10240x128xf32, #tpu.memory_space<vmem_shared>>)
        tpu.yield
      }) : () -> ()
    }
    %scan3A_12 = arith.constant 79 : i32
    "tpu.region"() ({
      %run_scoped3A = tpu.sem_alloc : memref<!tpu.dma_semaphore, #tpu.memory_space<semaphore_mem>>
      %dma_start3A = arith.constant 0 : i32
      %dma_start3A_19 = arith.constant 0 : i32
      %dma_start3A_20 = tpu.memref_slice %arg6[%arg0, %arg1, %dma_start3A, %dma_start3A_19] : memref<2x16x80x128xf32, #tpu.memory_space<hbm>> -> memref<1x1x80x128xf32, #tpu.memory_space<hbm>>
      %dma_start3A_21 = tpu.memref_squeeze %dma_start3A_20 : memref<1x1x80x128xf32, #tpu.memory_space<hbm>> -> memref<80x128xf32, #tpu.memory_space<hbm>>
      %dma_start3A_22 = arith.constant 0 : i32
      %dma_start3A_23 = arith.constant 0 : i32
      %dma_start3A_24 = tpu.memref_slice %arg6[%arg0, %arg1, %dma_start3A_22, %dma_start3A_23] : memref<2x16x80x128xf32, #tpu.memory_space<hbm>> -> memref<1x1x80x128xf32, #tpu.memory_space<hbm>>
      %dma_start3A_25 = tpu.memref_squeeze %dma_start3A_24 : memref<1x1x80x128xf32, #tpu.memory_space<hbm>> -> memref<80x128xf32, #tpu.memory_space<hbm>>
      tpu.enqueue_dma source(%arg10 : memref<80x128xf32, #tpu.memory_space<vmem>>) target(%dma_start3A_25 : memref<80x128xf32, #tpu.memory_space<hbm>>) target_semaphore(%run_scoped3A : memref<!tpu.dma_semaphore, #tpu.memory_space<semaphore_mem>>)
      %dma_wait3A = arith.constant 0 : i32
      %dma_wait3A_26 = arith.constant 0 : i32
      %dma_wait3A_27 = tpu.memref_slice %arg6[%arg0, %arg1, %dma_wait3A, %dma_wait3A_26] : memref<2x16x80x128xf32, #tpu.memory_space<hbm>> -> memref<1x1x80x128xf32, #tpu.memory_space<hbm>>
      %dma_wait3A_28 = tpu.memref_squeeze %dma_wait3A_27 : memref<1x1x80x128xf32, #tpu.memory_space<hbm>> -> memref<80x128xf32, #tpu.memory_space<hbm>>
      %dma_wait3A_29 = arith.constant 0 : i32
      %dma_wait3A_30 = arith.constant 0 : i32
      %dma_wait3A_31 = tpu.memref_slice %arg6[%arg0, %arg1, %dma_wait3A_29, %dma_wait3A_30] : memref<2x16x80x128xf32, #tpu.memory_space<hbm>> -> memref<1x1x80x128xf32, #tpu.memory_space<hbm>>
      %dma_wait3A_32 = tpu.memref_squeeze %dma_wait3A_31 : memref<1x1x80x128xf32, #tpu.memory_space<hbm>> -> memref<80x128xf32, #tpu.memory_space<hbm>>
      tpu.wait_dma2 semaphore(%run_scoped3A : memref<!tpu.dma_semaphore, #tpu.memory_space<semaphore_mem>>) src(%arg10 : memref<80x128xf32, #tpu.memory_space<vmem>>) dst(%dma_wait3A_32 : memref<80x128xf32, #tpu.memory_space<hbm>>)
      tpu.yield
    }) : () -> ()
    %barrier3A_13 = arith.constant 0 : index
    tpu.barrier barrier_id(%barrier3A_13)
    %scan3A_14 = arith.constant 0 : i32
    %scan3A_15 = arith.constant 5 : i32
    %scan3A_16 = arith.addi %scan3A_14, %scan3A_15 : i32
    %scan3A_17 = arith.constant 1 : i32
    scf.for %scan3A_19 = %scan3A_14 to %scan3A_16 step %scan3A_17  : i32 {
      %mul3A_20 = arith.constant 1 : i32
      %mul3A_21 = arith.muli %scan3A_19, %mul3A_20 : i32
      %add3A_22 = arith.constant 0 : i32
      %add3A_23 = arith.addi %add3A_22, %mul3A_21 : i32
      %mul3A_24 = arith.constant 640 : i32
      %mul3A_25 = arith.muli %arg1, %mul3A_24 : i32
      %mul3A_26 = arith.constant 128 : i32
      %mul3A_27 = arith.muli %add3A_23, %mul3A_26 : i32
      %add3A_28 = arith.addi %mul3A_25, %mul3A_27 : i32
      "tpu.region"() ({
        %run_scoped3A = tpu.sem_alloc : memref<!tpu.dma_semaphore, #tpu.memory_space<semaphore_mem>>
        %dma_start3A = arith.constant 0 : i32
        %dma_start3A_29 = tpu.memref_slice %arg11[%add3A_28, %dma_start3A] : memref<10240x128xf32, #tpu.memory_space<vmem_shared>> -> memref<128x128xf32, #tpu.memory_space<vmem_shared>>
        %dma_start3A_30 = arith.constant 0 : i32
        %dma_start3A_31 = tpu.memref_slice %arg11[%add3A_28, %dma_start3A_30] : memref<10240x128xf32, #tpu.memory_space<vmem_shared>> -> memref<128x128xf32, #tpu.memory_space<vmem_shared>>
        tpu.enqueue_dma source(%dma_start3A_31 : memref<128x128xf32, #tpu.memory_space<vmem_shared>>) target(%arg9 : memref<128x128xf32, #tpu.memory_space<vmem>>) target_semaphore(%run_scoped3A : memref<!tpu.dma_semaphore, #tpu.memory_space<semaphore_mem>>)
        %dma_wait3A = arith.constant 0 : i32
        %dma_wait3A_32 = tpu.memref_slice %arg11[%add3A_28, %dma_wait3A] : memref<10240x128xf32, #tpu.memory_space<vmem_shared>> -> memref<128x128xf32, #tpu.memory_space<vmem_shared>>
        %dma_wait3A_33 = arith.constant 0 : i32
        %dma_wait3A_34 = tpu.memref_slice %arg11[%add3A_28, %dma_wait3A_33] : memref<10240x128xf32, #tpu.memory_space<vmem_shared>> -> memref<128x128xf32, #tpu.memory_space<vmem_shared>>
        tpu.wait_dma2 semaphore(%run_scoped3A : memref<!tpu.dma_semaphore, #tpu.memory_space<semaphore_mem>>) src(%dma_wait3A_34 : memref<128x128xf32, #tpu.memory_space<vmem_shared>>) dst(%arg9 : memref<128x128xf32, #tpu.memory_space<vmem>>)
        tpu.yield
      }) : () -> ()
      "tpu.region"() ({
        %run_scoped3A = tpu.sem_alloc : memref<!tpu.dma_semaphore, #tpu.memory_space<semaphore_mem>>
        %dma_start3A = arith.constant 0 : i32
        %dma_start3A_29 = tpu.memref_slice %arg5[%arg0, %add3A_28, %dma_start3A] : memref<2x10240x128xf32, #tpu.memory_space<hbm>> -> memref<1x128x128xf32, #tpu.memory_space<hbm>>
        %dma_start3A_30 = tpu.memref_squeeze %dma_start3A_29 : memref<1x128x128xf32, #tpu.memory_space<hbm>> -> memref<128x128xf32, #tpu.memory_space<hbm>>
        %dma_start3A_31 = arith.constant 0 : i32
        %dma_start3A_32 = tpu.memref_slice %arg5[%arg0, %add3A_28, %dma_start3A_31] : memref<2x10240x128xf32, #tpu.memory_space<hbm>> -> memref<1x128x128xf32, #tpu.memory_space<hbm>>
        %dma_start3A_33 = tpu.memref_squeeze %dma_start3A_32 : memref<1x128x128xf32, #tpu.memory_space<hbm>> -> memref<128x128xf32, #tpu.memory_space<hbm>>
        tpu.enqueue_dma source(%arg9 : memref<128x128xf32, #tpu.memory_space<vmem>>) target(%dma_start3A_33 : memref<128x128xf32, #tpu.memory_space<hbm>>) target_semaphore(%run_scoped3A : memref<!tpu.dma_semaphore, #tpu.memory_space<semaphore_mem>>)
        %dma_wait3A = arith.constant 0 : i32
        %dma_wait3A_34 = tpu.memref_slice %arg5[%arg0, %add3A_28, %dma_wait3A] : memref<2x10240x128xf32, #tpu.memory_space<hbm>> -> memref<1x128x128xf32, #tpu.memory_space<hbm>>
        %dma_wait3A_35 = tpu.memref_squeeze %dma_wait3A_34 : memref<1x128x128xf32, #tpu.memory_space<hbm>> -> memref<128x128xf32, #tpu.memory_space<hbm>>
        %dma_wait3A_36 = arith.constant 0 : i32
        %dma_wait3A_37 = tpu.memref_slice %arg5[%arg0, %add3A_28, %dma_wait3A_36] : memref<2x10240x128xf32, #tpu.memory_space<hbm>> -> memref<1x128x128xf32, #tpu.memory_space<hbm>>
        %dma_wait3A_38 = tpu.memref_squeeze %dma_wait3A_37 : memref<1x128x128xf32, #tpu.memory_space<hbm>> -> memref<128x128xf32, #tpu.memory_space<hbm>>
        tpu.wait_dma2 semaphore(%run_scoped3A : memref<!tpu.dma_semaphore, #tpu.memory_space<semaphore_mem>>) src(%arg9 : memref<128x128xf32, #tpu.memory_space<vmem>>) dst(%dma_wait3A_38 : memref<128x128xf32, #tpu.memory_space<hbm>>)
        tpu.yield
      }) : () -> ()
    }
    %scan3A_18 = arith.constant 5 : i32
    return
  }
}

module attributes {stable_mosaic.version = 14 : i64} {
  func.func @body(%arg0: i32, %arg1: memref<2x1024x128xf32, #tpu.memory_space<vmem>>, %arg2: memref<32x1024xf32, #tpu.memory_space<vmem>>, %arg3: memref<1024x128xf32, #tpu.memory_space<vmem>>, %arg4: memref<128x128xf32, #tpu.memory_space<vmem>>, %arg5: memref<1x128xf32, #tpu.memory_space<vmem>>, %arg6: memref<1024x128xf32, #tpu.memory_space<vmem>>) attributes {dimension_semantics = [#tpu.dimension_semantics<arbitrary>], iteration_bounds = array<i64: 10>, scalar_prefetch = 0 : i64, scratch_operands = 0 : i64, tpu.core_type = #tpu.core_type<tc>, window_params = [{transform_indices = @transform_0, window_bounds = array<i64: 2, 1024, 128>}, {transform_indices = @transform_1, window_bounds = array<i64: 32, 1024>}, {transform_indices = @transform_2, window_bounds = array<i64: 1024, 128>}, {pipeline_mode = #tpu.pipeline_mode<synchronous>, transform_indices = @transform_3, window_bounds = array<i64: 128, 128>}, {pipeline_mode = #tpu.pipeline_mode<synchronous>, transform_indices = @transform_4, window_bounds = array<i64: 1, 128>}, {transform_indices = @transform_5, window_bounds = array<i64: 1024, 128>}]} {
    %get3A = arith.constant 0 : index
    %get3A_0 = arith.constant 0 : index
    %get3A_1 = arith.constant 0 : index
    %get3A_2 = vector.load %arg1[%get3A, %get3A_0, %get3A_1] : memref<2x1024x128xf32, #tpu.memory_space<vmem>>, vector<1x1024x128xf32>
    %get3A_3 = vector.shape_cast %get3A_2 : vector<1x1024x128xf32> to vector<1024x128xf32>
    %get3A_4 = arith.constant 1 : index
    %get3A_5 = arith.constant 0 : index
    %get3A_6 = arith.constant 0 : index
    %get3A_7 = vector.load %arg1[%get3A_4, %get3A_5, %get3A_6] : memref<2x1024x128xf32, #tpu.memory_space<vmem>>, vector<1x1024x128xf32>
    %get3A_8 = vector.shape_cast %get3A_7 : vector<1x1024x128xf32> to vector<1024x128xf32>
    %add3A = arith.addf %get3A_3, %get3A_8 : vector<1024x128xf32>
    %get3A_9 = arith.constant 0 : index
    %get3A_10 = arith.constant 0 : index
    %get3A_11 = vector.load %arg3[%get3A_9, %get3A_10] : memref<1024x128xf32, #tpu.memory_space<vmem>>, vector<1024x128xf32>
    %add3A_12 = arith.addf %add3A, %get3A_11 : vector<1024x128xf32>
    %get3A_13 = arith.constant 0 : index
    %get3A_14 = arith.constant 0 : index
    %get3A_15 = vector.load %arg2[%get3A_13, %get3A_14] : memref<32x1024xf32, #tpu.memory_space<vmem>>, vector<32x1024xf32>
    %broadcast_in_dim3A = arith.constant 1.000000e+00 : f32
    %broadcast_in_dim3A_16 = vector.broadcast %broadcast_in_dim3A : f32 to vector<32x1xf32>
    %dot_general3A = arith.constant dense<0.000000e+00> : vector<1024x1xf32>
    %dot_general3A_17 = tpu.matmul %get3A_15, %broadcast_in_dim3A_16, %dot_general3A {dimension_numbers = #tpu.dot_dimension_numbers<[0], [0], [1], [1], [0, 1, 1, 1], [], []>, transpose_lhs_hint = false} : vector<32x1024xf32>, vector<32x1xf32>, vector<1024x1xf32> -> vector<1024x1xf32>
    %add3A_18 = arith.constant 1.000000e+00 : f32
    %add3A_19 = vector.broadcast %add3A_18 : f32 to vector<1024x1xf32>
    %add3A_20 = arith.addf %dot_general3A_17, %add3A_19 : vector<1024x1xf32>
    %max3A = arith.constant 1.000000e+00 : f32
    %max3A_21 = vector.broadcast %max3A : f32 to vector<1024x1xf32>
    %max3A_22 = arith.maximumf %add3A_20, %max3A_21 : vector<1024x1xf32>
    %div3A = vector.broadcast %max3A_22 : vector<1024x1xf32> to vector<1024x128xf32>
    %div3A_23 = arith.divf %add3A_12, %div3A : vector<1024x128xf32>
    %get3A_24 = arith.constant 0 : index
    %get3A_25 = arith.constant 0 : index
    %get3A_26 = vector.load %arg4[%get3A_24, %get3A_25] : memref<128x128xf32, #tpu.memory_space<vmem>>, vector<128x128xf32>
    %dot_general3A_27 = arith.constant dense<0.000000e+00> : vector<1024x128xf32>
    %dot_general3A_28 = tpu.matmul %div3A_23, %get3A_26, %dot_general3A_27 {dimension_numbers = #tpu.dot_dimension_numbers<[1], [0], [0], [1], [0, 0, 1, 1], [], []>, transpose_lhs_hint = false} : vector<1024x128xf32>, vector<128x128xf32>, vector<1024x128xf32> -> vector<1024x128xf32>
    %get3A_29 = arith.constant 0 : index
    %get3A_30 = arith.constant 0 : index
    %get3A_31 = vector.load %arg5[%get3A_29, %get3A_30] : memref<1x128xf32, #tpu.memory_space<vmem>>, vector<1x128xf32>
    %add3A_32 = vector.broadcast %get3A_31 : vector<1x128xf32> to vector<1024x128xf32>
    %add3A_33 = arith.addf %dot_general3A_28, %add3A_32 : vector<1024x128xf32>
    %mul3A = arith.mulf %add3A_33, %add3A_33 : vector<1024x128xf32>
    %reduce_sum3A = arith.constant dense<0.000000e+00> : vector<1024xf32>
    %reduce_sum3A_34 = vector.multi_reduction <add>, %mul3A, %reduce_sum3A [1] : vector<1024x128xf32> to vector<1024xf32>
    %broadcast_in_dim3A_35 = vector.shape_cast %reduce_sum3A_34 : vector<1024xf32> to vector<1024x1xf32>
    %sqrt3A = math.sqrt %broadcast_in_dim3A_35 : vector<1024x1xf32>
    %max3A_36 = arith.constant 9.99999996E-13 : f32
    %max3A_37 = vector.broadcast %max3A_36 : f32 to vector<1024x1xf32>
    %max3A_38 = arith.maximumf %sqrt3A, %max3A_37 : vector<1024x1xf32>
    %div3A_39 = vector.broadcast %max3A_38 : vector<1024x1xf32> to vector<1024x128xf32>
    %div3A_40 = arith.divf %add3A_33, %div3A_39 : vector<1024x128xf32>
    %swap3A = arith.constant 0 : index
    %swap3A_41 = arith.constant 0 : index
    %swap3A_42 = vector.load %arg6[%swap3A, %swap3A_41] : memref<1024x128xf32, #tpu.memory_space<vmem>>, vector<1024x128xf32>
    tpu.vector_store %arg6[%swap3A, %swap3A_41], %div3A_40 {strides = array<i32>} : memref<1024x128xf32, #tpu.memory_space<vmem>>, vector<1024x128xf32>,
    return
  }
  func.func @transform_0(%arg0: i32) -> (i32, i32, i32) {
    %c0_i32 = arith.constant 0 : i32
    %c0_i32_0 = arith.constant 0 : i32
    %c0_i32_1 = arith.constant 0 : i32
    return %c0_i32, %arg0, %c0_i32_0 : i32, i32, i32
  }
  func.func @transform_1(%arg0: i32) -> (i32, i32) {
    %c0_i32 = arith.constant 0 : i32
    %c0_i32_0 = arith.constant 0 : i32
    return %c0_i32, %arg0 : i32, i32
  }
  func.func @transform_2(%arg0: i32) -> (i32, i32) {
    %c0_i32 = arith.constant 0 : i32
    %c0_i32_0 = arith.constant 0 : i32
    return %arg0, %c0_i32 : i32, i32
  }
  func.func @transform_3(%arg0: i32) -> (i32, i32) {
    %c0_i32 = arith.constant 0 : i32
    %c0_i32_0 = arith.constant 0 : i32
    %c0_i32_1 = arith.constant 0 : i32
    return %c0_i32, %c0_i32_0 : i32, i32
  }
  func.func @transform_4(%arg0: i32) -> (i32, i32) {
    %c0_i32 = arith.constant 0 : i32
    %c0_i32_0 = arith.constant 0 : i32
    %c0_i32_1 = arith.constant 0 : i32
    return %c0_i32, %c0_i32_0 : i32, i32
  }
  func.func @transform_5(%arg0: i32) -> (i32, i32) {
    %c0_i32 = arith.constant 0 : i32
    %c0_i32_0 = arith.constant 0 : i32
    return %arg0, %c0_i32 : i32, i32
  }
}

</mosaic_0001>

<sc_bundles>
// kernel: kernel.4.cloned.1.call-start
scs
__scs_entry_jumppad:
0x0: {  	(pc) =	sbr.rel $0x88, $3  }
0x1: {  	(tag) =	ssettag $0x0;
	lr =	simm.s32 $0x1  }
0x2: {  	[smem:$0x3F9D] =	sst lr;
	_ =	strace $0xD0000000  }
0x3: {  	_ = 	snop  }
0x4: {  	_ = 	snop  }
0x5: {  	_ = 	snop  }
0x6: {  	_ = 	snop  }
0x7: {  	_ = 	snop  }
__scs_overlays_trampoline_lowered:
0x8: {  	[smem:$0x3FAC] =	sst s0  }
0x9: {  	[smem:$0x3FAD] =	sst s1  }
0xa: {  	[smem:$0x3FAE] =	sst s2  }
0xb: {  	[smem:$0x3FAF] =	sst s3  }
0xc: {  	[smem:$0x3FB0] =	sst s4  }
0xd: {  	[smem:$0x3FB1] =	sst s5  }
0xe: {  	[smem:$0x3FB2] =	sst s6  }
0xf: {  	[smem:$0x3FB3] =	sst s7  }
0x10: {  	[smem:$0x3FB4] =	sst s8  }
0x11: {  	[smem:$0x3FB5] =	sst s9;
	s0 =	simm.s32 @!p0 $0x0  }
0x12: {  	s1 =	sld [smem:$0x3F9B];
	s0 =	simm.s32 @p0 $0x1  }
0x13: {  	[smem:$0x3FB6] =	sst s0;
	s0 =	simm.s32 @!p1 $0x0  }
0x14: {  	s2 =	sld [smem:$0x3F9A];
	s0 =	simm.s32 @p1 $0x1  }
0x15: {  	[smem:$0x3FB7] =	sst s0;
	s0 =	simm.s32 @!p2 $0x0  }
0x16: {  	s3 =	sld [smem:$0x3FDB];
	s0 =	simm.s32 @p2 $0x1  }
0x17: {  	s4 =	simm.s32 $0x1BF5;
	[smem:$0x3FB9] =	sst s0  }
0x18: {  	s0 =	sld [smem:$0x3F9C];
	_ =	swait.ge [sflag:s4], $0x0  }
0x19: {  	s7 =	sld [smem:$0x3F9D]  }
0x1a: {  	s8 =	sadd.s32 $0xFFFFE003, lr  }
0x1b: {  	s9 =	sadd.s32 $0xFFFFFEF7, lr;
	s5 =	simm.s32 $0xFFFFFFFF;
	p2 =	slt.u32 s8, $0xFFFFF086  }
0x1c: {  	p1 =	slt.u32 s9, $0xF7A;
	s5 =	simm.s32 @!p2 $0x0  }
0x1d: {  	s5 =	simm.s32 @p1 $0x1;
	p0 =	seq.s32 s7, s2  }
0x1e: {  	s7 =	smul.u32 @!p0 $0xF7A, s2;
	p2 =	seq.s32 @!p0 s5, $0x0  }
0x1f: {  	s9 =	smul.u32 $0xF7A, s1;
	s8 =	simm.s32 @!p0 $0x1BF5;
	p2 =	por !p2, p0  }
0x20: {  	[sflag:s8] =	ssyncset.s32 @!p0 $0xFFFFF086;
	s6 =	sadd.s32 @!p0 s3, s7;
	s7 =	simm.s32 @!p0 $0x108  }
0x21: {  	s3 =	sadd.s32 s3, s9;
	s6 =	sadd.s32 @!p0 $0x88, s6;
	s7 =	simm.s32 @p2 $0x1082  }
0x22: {  	[simem:s7], [sflag:s8] =	dma.local @!p0 [hbm:s6], $0xF7A  }
0x23: {  	s9 =	sor.u32 $0xD0000000, s2;
	s6 =	simm.s32 $0x108;
	_ =	swait.ge @!p0 [sflag:s8], $0x0  }
0x24: {  	s3 =	sadd.s32 $0x88, s3;
	s6 =	simm.s32 @!p1 $0x1082;
	[sflag:s4] =	ssyncset.s32 $0xFFFFF086  }
0x25: {  	[simem:s6], [sflag:s4] =	dma.local [hbm:s3], $0xF7A  }
0x26: {  	[smem:$0x3F9D] =	sst s1;
	(tag) =	ssettag s2;
	_ =	strace s9  }
0x27: {  	s1 =	sld [smem:$0x3FAD]  }
0x28: {  	s2 =	sld [smem:$0x3FAE]  }
0x29: {  	s4 =	sld [smem:$0x3FB0]  }
0x2a: {  	p0 =	seq.s32 s5, $0x0;
	s5 =	sld [smem:$0x3FB1]  }
0x2b: {  	s6 =	sld [smem:$0x3FB2]  }
0x2c: {  	s7 =	sld [smem:$0x3FB3]  }
0x2d: {  	s3 =	simm.s32 $0x108;
	s8 =	sld [smem:$0x3FB4]  }
0x2e: {  	s3 =	simm.s32 @!p0 $0x1082;
	s9 =	sld [smem:$0x3FB5]  }
0x2f: {  	lr =	sadd.s32 s0, s3;
	s0 =	sld [smem:$0x3FAC]  }
0x30: {  	s3 =	sld [smem:$0x3FAF]  }
0x31: {  	[smem:$0x3FB8] =	sst s10  }
0x32: {  	s10 =	sld [smem:$0x3FB6];
	_ =	sdelay $0x3  }
0x33: {  	p0 =	seq.s32 s10, $0x1;
	s10 =	sld [smem:$0x3FB8];
	_ =	sdelay $0x3  }
0x34: {  	[smem:$0x3FB8] =	sst s10  }
0x35: {  	s10 =	sld [smem:$0x3FB7];
	_ =	sdelay $0x3  }
0x36: {  	p1 =	seq.s32 s10, $0x1;
	s10 =	sld [smem:$0x3FB8];
	_ =	sdelay $0x3  }
0x37: {  	[smem:$0x3FB8] =	sst s10  }
0x38: {  	s10 =	sld [smem:$0x3FB9]  }
0x39: {  	_ = 	snop;
	(pc) =	sbr.ind lr, $3  }
0x3a: {  	_ = 	snop  }
0x3b: {  	_ = 	snop  }
0x3c: {  	p2 =	seq.s32 s10, $0x1;
	s10 =	sld [smem:$0x3FB8]  }
0x3d: {  	_ =	shalt  }
0x3e: {  	_ =	shalt  }
0x3f: {  	_ =	shalt  }
0x40: {  	_ =	shalt  }
0x41: {  	_ =	shalt  }
0x42: {  	_ =	shalt  }
0x43: {  	_ =	shalt  }
0x44: {  	_ =	shalt  }
0x45: {  	_ =	shalt  }
0x46: {  	_ =	shalt  }
0x47: {  	_ =	shalt  }
0x48: {  	_ =	shalt  }
0x49: {  	_ =	shalt  }
0x4a: {  	_ =	shalt  }
0x4b: {  	_ =	shalt  }
0x4c: {  	_ =	shalt  }
0x4d: {  	_ =	shalt  }
0x4e: {  	_ =	shalt  }
0x4f: {  	_ =	shalt  }
0x50: {  	_ =	shalt  }
0x51: {  	_ =	shalt  }
0x52: {  	_ =	shalt  }
0x53: {  	_ =	shalt  }
0x54: {  	_ =	shalt  }
0x55: {  	_ =	shalt  }
0x56: {  	_ =	shalt  }
0x57: {  	_ =	shalt  }
0x58: {  	_ =	shalt  }
0x59: {  	_ =	shalt  }
0x5a: {  	_ =	shalt  }
0x5b: {  	_ =	shalt  }
0x5c: {  	_ =	shalt  }
0x5d: {  	_ =	shalt  }
0x5e: {  	_ =	shalt  }
0x5f: {  	_ =	shalt  }
0x60: {  	_ =	shalt  }
0x61: {  	_ =	shalt  }
0x62: {  	_ =	shalt  }
0x63: {  	_ =	shalt  }
0x64: {  	_ =	shalt  }
0x65: {  	_ =	shalt  }
0x66: {  	_ =	shalt  }
0x67: {  	_ =	shalt  }
0x68: {  	_ =	shalt  }
0x69: {  	_ =	shalt  }
0x6a: {  	_ =	shalt  }
0x6b: {  	_ =	shalt  }
0x6c: {  	_ =	shalt  }
0x6d: {  	_ =	shalt  }
0x6e: {  	_ =	shalt  }
0x6f: {  	_ =	shalt  }
0x70: {  	_ =	shalt  }
0x71: {  	_ =	shalt  }
0x72: {  	_ =	shalt  }
0x73: {  	_ =	shalt  }
0x74: {  	_ =	shalt  }
0x75: {  	_ =	shalt  }
0x76: {  	_ =	shalt  }
0x77: {  	_ =	shalt  }
0x78: {  	_ =	shalt  }
0x79: {  	_ =	shalt  }
0x7a: {  	_ =	shalt  }
0x7b: {  	_ =	shalt  }
0x7c: {  	_ =	shalt  }
0x7d: {  	_ =	shalt  }
0x7e: {  	_ =	shalt  }
0x7f: {  	_ =	shalt  }
0x80: {  	_ =	shalt  }
0x81: {  	_ =	shalt  }
0x82: {  	_ =	shalt  }
0x83: {  	_ =	shalt  }
0x84: {  	_ =	shalt  }
0x85: {  	_ =	shalt  }
0x86: {  	_ =	shalt  }
0x87: {  	_ =	shalt  }
.Lfunc_end0:
.L_simem_size_0:
called_computation_lowered:
.L_overlay_start_0:
0x88: {  	s2 =	sld [smem:$0x3FD9]  }
0x89: {  	s3 =	sld [smem:$0x3FFE];
	_ =	sdelay $0x1  }
0x8a: {  	s1 =	srdreg.scid  }
0x8b: {  	s0 =	sand.u32 $0x1, s1  }
0x8c: {  	s17 =	sshll.u32 s0, $0xA;
	s2 =	sadd.s32 s3, s2  }
0x8d: {  	s2 =	sadd.s32 s2, s17  }
0x8e: {  	[smem:$0x3FC4] =	sst s2  }
0x8f: {  	_ = 	snop  }
0x90: {  	s2 =	sld [smem:$0x3FD0];
	(tm) =	ssettm $0x1  }
0x91: {  	s18 =	sld [smem:$0x3FFB];
	_ =	sdelay $0x3  }
0x92: {  	_ =	strace s18  }
0x93: {  	s3 =	sld [smem:$0x3FFC];
	_ =	sdelay $0x3  }
0x94: {  	_ =	strace s3  }
0x95: {  	s3 =	sld [smem:$0x3FFD];
	_ =	sdelay $0x3  }
0x96: {  	_ =	strace s3  }
0x97: {  	_ =	strace $0x8FFFFFFF  }
0x98: {  	s19 =	sld [smem:$0x3FDB];
	_ =	sdelay $0x1  }
0x99: {  	s4 =	simm.s32 $_scs_section_size  }
0x9a: {  	s5 =	simm.s32 $_size__tile_overlayer_lowered;
	s6 =	simm.s32 $_tile_overlayer_lowered  }
0x9b: {  	s22 =	simm.s32 $0x1BFF;
	s21 =	sshll.u32 s6, $0x1;
	s3 =	sadd.s32 s4, s19  }
0x9c: {  	s7 =	simm.s32 $0x0;
	s20 =	sshll.u32 s5, $0x1;
	s5 =	sadd.s32 s21, s3  }
0x9d: {  	[timem:s7], [sflag:s22] =	dma.local [hbm:s5], s20  }
0x9e: {  	_ =	swait.ge [sflag:s22], s20  }
0x9f: {  	s4 =	ssub.s32 $0x0, s20;
	[sflag:s22] =	ssyncset.done $0x0  }
0xa0: {  	[sflag:s22] =	ssyncadd.s32 s4;
	_ =	sdelay $0x1  }
0xa1: {  	s23 =	simm.s32 $0x1B8B  }
0xa2: {  	_ =	swait.ge [sflag:s23], $0x1  }
0xa3: {  	[sflag:s23] =	ssyncset.done $0x0  }
0xa4: {  	s25 =	simm.s32 $0x1B8E;
	s24 =	sld [smem:$0x3FFE];
	[sflag:s23] =	ssyncadd.s32 $0xFFFFFFFF  }
0xa5: {  	s26 =	simm.s32 $execute0_lowered;
	[smem:$0x3FD2] =	sst s25  }
0xa6: {  	s5 =	sshll.u32 s26, $0x1;
	_ =	strace $0x80000046;
	[dreg:$0x1] =	wrdreg $0xFFFFFFFF  }
0xa7: {  	s28 =	simm.s32 $_size_execute0_lowered;
	s3 =	sadd.s32 s3, s5;
	[dreg:$0x0] =	wrdreg $0x0  }
0xa8: {  	s5 =	sshll.u32 s28, $0x1;
	[dreg:$0x2] =	wrdreg s3  }
0xa9: {  	[dreg:$0x3] =	wrdreg s5  }
0xaa: {  	[dreg:$0x4] =	wrdreg $0xC0  }
0xab: {  	_ =	task [dreg:s7], $0x5FFFF  }
0xac: {  	[dreg:$0x1] =	wrdreg $0xFFFFFFFF  }
0xad: {  	[dreg:$0x0] =	wrdreg $0x60  }
0xae: {  	[dreg:$0x2] =	wrdreg s24  }
0xaf: {  	[dreg:$0x3] =	wrdreg s2  }
0xb0: {  	[dreg:$0x4] =	wrdreg $0xB7000  }
0xb1: {  	[dreg:$0x5] =	wrdreg $0x9  }
0xb2: {  	_ =	task.clear_ibuf [dreg:s7], $0x6FFFF;
	_ =	strace $0x90000046  }
0xb3: {  	s29 =	simm.s32 $0x9;
	_ =	strace $0x80000048  }
0xb4: {  	_ =	swait.ge [sflag:s29], $0x1  }
0xb5: {  	[sflag:s29] =	ssyncadd.s32 $0xFFFFFFFF  }
0xb6: {  	_ =	strace $0x90000048  }
0xb7: {  	_ =	sfence  }
0xb8: {  	s30 =	sld [smem:$0x0];
	_ =	sdelay $0x2  }
0xb9: {  	s31 =	sshll.u32 s1, $0xD;
	s1 =	sshrl.u32 s1, $0x2  }
0xba: {  	s3 =	sand.u32 $0x4000, s31;
	s1 =	sadd.s32 s1, s30  }
0xbb: {  	s0 =	sor.u32 s3, s0;
	s1 =	sshll.u32 s1, $0x11  }
0xbc: {  	s0 =	sor.u32 s1, s0  }
0xbd: {  	s0 =	sadd.s32 $0x8F2B, s0  }
0xbe: {  	[sflag:s0] =	ssyncadd.remote.s32 $0x1  }
0xbf: {  	_ =	sfence.sel $0xFFFF  }
0xc0: {  	[dreg:$0x0] =	wrdreg $0xFFFFFFFF;
	(pc) =	sbr.abs _section_cstart, $3  }
0xc1: {  	[dreg:$0x1] =	wrdreg $0xFFFFFFFF  }
0xc2: {  	_ =	task.clear_ibuf [dreg:s7], $0x2FFFF;
	_ =	strace $0x9FFFFFFF  }
0xc3: {  	(tm) =	ssettm $0x7FFFFFFF  }
tec
execute0_lowered:
.L_overlay_start_1:
0x0: {  	(tag) =	ssettag $0x1  }
0x1: {  	s0 =	rddreg [dreg:$0x0]  }
0x2: {  	s1 =	srdreg.scid;
	s10 =	rddreg [dreg:$0x1]  }
0x3: {  	s2 =	rddreg [dreg:$0x2];
	s13 =	stileid.u32  }
0x4: {  	s3 =	simm.s32 $0x0;
	s28 =	simm.s32 $0x2;
	s29 =	simm.s32 $0x8F00  }
0x5: {  	s31 =	simm.s32 $0x80;
	s1 =	sand.u32 $0x1, s1;
	s6 =	smul.u32 $0x50000, s13  }
0x6: {  	[smem:$0x7FF] =	sst s3;
	s20 =	sadd.s32 $0x3D200, s0;
	s11 =	smul.u32 $0x2800, s13  }
0x7: {  	s17 =	sadd.s32 $0x3CA00, s0;
	s4 =	sshll.u32 s1, $0x4;
	_ =	strace $0x80000047  }
0x8: {  	s16 =	ssub.s32 $0x2, s1;
	s8 =	smul.u32 $0x28000, s1;
	[dreg:$0x4] =	wrdreg s17  }
0x9: {  	s21 =	smul.u32 $0x140000, s1;
	s1 =	simm.s32 $0x0;
	s4 =	sor.u32 s13, s4  }
0xa: {  	s7 =	sshrl.u32 s16, $0x1;
	s18 =	sshrl.u32 s6, $0x2;
	s6 =	sadd.s32 $0x3CD00, s0  }
0xb: {  	s5 =	smul.u32 $0x4F0, s4;
	s4 =	sadd.s32 $0x15200, s0;
	s12 =	ssub.s32 s16, s7  }
0xc: {  	s7 =	sadd.s32 s18, s2;
	s19 =	sadd.s32 s11, s8;
	s18 =	smul.u32 $0x14000, s13  }
0xd: {  	s12 =	smax.u32 s12, $0x1;
	s13 =	sadd.s32 $0x4000, s7;
	s14 =	sadd.s32 $0x8000, s7  }
0xe: {  	s9 =	sadd.s32 s5, s0;
	s0 =	sshrl.u32 s19, $0x3;
	s11 =	sadd.s32 s18, s2  }
0xf: {  	s22 =	sadd.s32 $0x4000, s18;
	s15 =	sadd.s32 s21, s18;
	s23 =	sadd.s32 $0x8000, s18  }
0x10: {  	s24 =	sadd.s32 $0xC000, s18;
	s25 =	sadd.s32 $0x10000, s18;
	s8 =	sadd.s32 $0xB400, s9  }
0x11: {  	s9 =	sadd.s32 $0x1600, s9;
	s10 =	sadd.s32 s10, s0;
	s16 =	sadd.s32 s21, s22  }
0x12: {  	s17 =	sshrl.u32 s15, $0x3;
	s15 =	sadd.s32 $0xC000, s7;
	s26 =	sadd.s32 s21, s23  }
0x13: {  	s30 =	sadd.s32 s21, s24;
	s0 =	sadd.s32 s21, s25;
	s21 =	sadd.s32 $0x10000, s7  }
0x14: {  	s22 =	sadd.s32 s22, s2;
	s23 =	sadd.s32 s23, s2;
	s24 =	sadd.s32 s24, s2  }
0x15: {  	s25 =	sadd.s32 s25, s2;
	s19 =	sshrl.u32 s16, $0x3;
	s16 =	sadd.s32 s20, s17  }
0x16: {  	s18 =	sshrl.u32 s26, $0x3;
	s0 =	sshrl.u32 s0, $0x3;
	s26 =	simm.s32 $0x4F00  }
0x17: {  	s17 =	sadd.s32 s20, s19;
	s19 =	sshrl.u32 s30, $0x3;
	s18 =	sadd.s32 s20, s18  }
0x18: {  	v0 =	vimm.f32 $1.000000000e+00;
	s19 =	sadd.s32 s20, s19;
	s20 =	sadd.s32 s20, s0;
	s0 =	simm.s32 $0x1  }
.LBB2_1:
0x19: {  	s5 =	rddreg [dreg:$0x4]  }
0x1a: {  	[tilespmem:s26], [sflag:$0x2] =	stream.linear.gather [hbm4b:s5+s3], $0x4000, $0x38;
	[tilespmem:$0x1F700] =	vst v63  }
0x1b: {  	_ =	swait.ge [sflag:s28], $0x4000  }
0x1c: {  	[sflag:s28] =	ssyncset.done $0x0  }
0x1d: {  	[sflag:s28] =	ssyncadd.s32 $0xFFFFC000  }
0x1e: {  	[tilespmem:s29], [sflag:$0x2] =	stream.linear.gather [hbm4b:s6+s3], $0x2800, $0x38;
	[tilespmem:$0x1F700] =	vst v63  }
0x1f: {  	_ =	swait.ge [sflag:s28], $0x2800  }
0x20: {  	[sflag:s28] =	ssyncset.done $0x0  }
0x21: {  	[sflag:s28] =	ssyncadd.s32 $0xFFFFD800  }
0x22: {  	[spmem:s7] =	stream.linear.scatter [tilespmem:s26], [sflag:$0x2], $0x4000, $0x38;
	[tilespmem:$0x1F700] =	vst v63  }
0x23: {  	_ =	swait.ge [sflag:s28], $0x4000  }
0x24: {  	[sflag:s28] =	ssyncset.done $0x0  }
0x25: {  	[sflag:s28] =	ssyncadd.s32 $0xFFFFC000  }
0x26: {  	[spmem:s13] =	stream.linear.scatter [tilespmem:s26], [sflag:$0x2], $0x4000, $0x38;
	[tilespmem:$0x1F700] =	vst v63  }
0x27: {  	_ =	swait.ge [sflag:s28], $0x4000  }
0x28: {  	[sflag:s28] =	ssyncset.done $0x0  }
0x29: {  	[sflag:s28] =	ssyncadd.s32 $0xFFFFC000  }
0x2a: {  	[spmem:s14] =	stream.linear.scatter [tilespmem:s26], [sflag:$0x2], $0x4000, $0x38;
	[tilespmem:$0x1F700] =	vst v63  }
0x2b: {  	_ =	swait.ge [sflag:s28], $0x4000  }
0x2c: {  	[sflag:s28] =	ssyncset.done $0x0  }
0x2d: {  	[sflag:s28] =	ssyncadd.s32 $0xFFFFC000  }
0x2e: {  	[spmem:s15] =	stream.linear.scatter [tilespmem:s26], [sflag:$0x2], $0x4000, $0x38;
	[tilespmem:$0x1F700] =	vst v63  }
0x2f: {  	_ =	swait.ge [sflag:s28], $0x4000  }
0x30: {  	[sflag:s28] =	ssyncset.done $0x0  }
0x31: {  	[sflag:s28] =	ssyncadd.s32 $0xFFFFC000  }
0x32: {  	[spmem:s21] =	stream.linear.scatter [tilespmem:s26], [sflag:$0x2], $0x4000, $0x38;
	[tilespmem:$0x1F700] =	vst v63  }
0x33: {  	_ =	swait.ge [sflag:s28], $0x4000  }
0x34: {  	[sflag:s28] =	ssyncset.done $0x0  }
0x35: {  	[sflag:s28] =	ssyncadd.s32 $0xFFFFC000  }
0x36: {  	[tilespmem:s3], [sflag:$0x2] =	stream.linear.gather [hbm4b:s8+s3], $0x2780, $0x38;
	[tilespmem:$0x1F700] =	vst v63  }
0x37: {  	_ =	swait.ge [sflag:s28], $0x2780  }
0x38: {  	[sflag:s28] =	ssyncset.done $0x0  }
0x39: {  	s5 =	simm.s32 $0x2780;
	[sflag:s28] =	ssyncadd.s32 $0xFFFFD880  }
0x3a: {  	[tilespmem:s5], [sflag:$0x2] =	stream.linear.gather [hbm4b:s9+s3], $0x2780, $0x38;
	[tilespmem:$0x1F700] =	vst v63  }
0x3b: {  	_ =	swait.ge [sflag:s28], $0x2780  }
0x3c: {  	[sflag:s28] =	ssyncset.done $0x0  }
0x3d: {  	[sflag:s28] =	ssyncadd.s32 $0xFFFFD880  }
0x3e: {  	s30 =	simm.s32 $0x0;
	[bflag:$0x0] =	sbarrier.arrive $0xFFFF  }
.LBB2_2:
0x3f: {  	s5 =	sshra.s32 s30, $0x2  }
0x40: {  	[tilespmem:s26], [sflag:$0x1] =	stream.indirect.gather [hbm4b:s4+s31], $0x80, s5, s31, $0xb8;
	[tilespmem:$0x1F700] =	vst v63  }
0x41: {  	v1 =	vld [tilespmem:s5+$0x2780];
	_ =	sdelay $0x7  }
0x42: {  	[tilespmem:v1+s29+$0x0] =	vst.idx.add.f32.msk $0xffff, v0  }
0x43: {  	v1 =	vld [tilespmem:s5+$0x2790];
	_ =	sdelay $0x7  }
0x44: {  	[tilespmem:v1+s29+$0x0] =	vst.idx.add.f32.msk $0xffff, v0  }
0x45: {  	v1 =	vld [tilespmem:s5+$0x27A0];
	_ =	sdelay $0x7  }
0x46: {  	[tilespmem:v1+s29+$0x0] =	vst.idx.add.f32.msk $0xffff, v0  }
0x47: {  	v1 =	vld [tilespmem:s5+$0x27B0];
	_ =	sdelay $0x7  }
0x48: {  	[tilespmem:v1+s29+$0x0] =	vst.idx.add.f32.msk $0xffff, v0  }
0x49: {  	v1 =	vld [tilespmem:s5+$0x27C0];
	_ =	sdelay $0x7  }
0x4a: {  	[tilespmem:v1+s29+$0x0] =	vst.idx.add.f32.msk $0xffff, v0  }
0x4b: {  	v1 =	vld [tilespmem:s5+$0x27D0];
	_ =	sdelay $0x7  }
0x4c: {  	[tilespmem:v1+s29+$0x0] =	vst.idx.add.f32.msk $0xffff, v0  }
0x4d: {  	v1 =	vld [tilespmem:s5+$0x27E0];
	_ =	sdelay $0x7  }
0x4e: {  	[tilespmem:v1+s29+$0x0] =	vst.idx.add.f32.msk $0xffff, v0  }
0x4f: {  	v1 =	vld [tilespmem:s5+$0x27F0];
	_ =	sdelay $0x7  }
0x50: {  	[tilespmem:v1+s29+$0x0] =	vst.idx.add.f32.msk $0xffff, v0  }
0x51: {  	_ =	swait.ge [sflag:s0], $0x4000  }
0x52: {  	p0 =	sne.s32 s30, $0x9C00;
	[sflag:s0] =	ssyncset.done $0x0  }
.Ltmp0:
0x53: {  	s5 =	sadd.s32 $0x2780, s5;
	[sflag:s0] =	ssyncadd.s32 $0xFFFFC000;
	(pc) =	sbr.rel @p0 .LBB2_2-.Ltmp0, $4  }
0x54: {  	[spmem:s2] =	stream.indirect.scatter.add.f32 [tilespmem:s26], [sflag:$0x2], $0x80, s5, s31, $0xb8;
	[tilespmem:$0x1F700] =	vst v63  }
0x55: {  	_ =	swait.ge [sflag:s28], $0x4000  }
0x56: {  	[sflag:s28] =	ssyncset.done $0x0  }
0x57: {  	s30 =	sadd.s32 $0x200, s30;
	[sflag:s28] =	ssyncadd.s32 $0xFFFFC000  }
0x58: {  	[hbm4b:s10+s3] =	stream.linear.scatter [tilespmem:s29], [sflag:$0x2], $0x2800, $0x38;
	[tilespmem:$0x1F700] =	vst v63  }
0x59: {  	_ =	swait.ge [sflag:s28], $0x2800  }
0x5a: {  	[sflag:s28] =	ssyncset.done $0x0  }
0x5b: {  	[sflag:s28] =	ssyncadd.s32 $0xFFFFD800  }
0x5c: {  	[bflag:$0x0] =	sbarrier.arrive $0xFFFF  }
0x5d: {  	[tilespmem:s26], [sflag:$0x2] =	stream.linear.gather [spmem:s11], $0x4000, $0x38;
	[tilespmem:$0x1F700] =	vst v63  }
0x5e: {  	_ =	swait.ge [sflag:s28], $0x4000  }
0x5f: {  	[sflag:s28] =	ssyncset.done $0x0  }
0x60: {  	[sflag:s28] =	ssyncadd.s32 $0xFFFFC000  }
0x61: {  	[hbm4b:s16+s3] =	stream.linear.scatter [tilespmem:s26], [sflag:$0x2], $0x4000, $0x38;
	[tilespmem:$0x1F700] =	vst v63  }
0x62: {  	_ =	swait.ge [sflag:s28], $0x4000  }
0x63: {  	[sflag:s28] =	ssyncset.done $0x0  }
0x64: {  	[sflag:s28] =	ssyncadd.s32 $0xFFFFC000  }
0x65: {  	[tilespmem:s26], [sflag:$0x2] =	stream.linear.gather [spmem:s22], $0x4000, $0x38;
	[tilespmem:$0x1F700] =	vst v63  }
0x66: {  	_ =	swait.ge [sflag:s28], $0x4000  }
0x67: {  	[sflag:s28] =	ssyncset.done $0x0  }
0x68: {  	[sflag:s28] =	ssyncadd.s32 $0xFFFFC000  }
0x69: {  	[hbm4b:s17+s3] =	stream.linear.scatter [tilespmem:s26], [sflag:$0x2], $0x4000, $0x38;
	[tilespmem:$0x1F700] =	vst v63  }
0x6a: {  	_ =	swait.ge [sflag:s28], $0x4000  }
0x6b: {  	[sflag:s28] =	ssyncset.done $0x0  }
0x6c: {  	[sflag:s28] =	ssyncadd.s32 $0xFFFFC000  }
0x6d: {  	[tilespmem:s26], [sflag:$0x2] =	stream.linear.gather [spmem:s23], $0x4000, $0x38;
	[tilespmem:$0x1F700] =	vst v63  }
0x6e: {  	_ =	swait.ge [sflag:s28], $0x4000  }
0x6f: {  	[sflag:s28] =	ssyncset.done $0x0  }
0x70: {  	[sflag:s28] =	ssyncadd.s32 $0xFFFFC000  }
0x71: {  	[hbm4b:s18+s3] =	stream.linear.scatter [tilespmem:s26], [sflag:$0x2], $0x4000, $0x38;
	[tilespmem:$0x1F700] =	vst v63  }
0x72: {  	_ =	swait.ge [sflag:s28], $0x4000  }
0x73: {  	[sflag:s28] =	ssyncset.done $0x0  }
0x74: {  	[sflag:s28] =	ssyncadd.s32 $0xFFFFC000  }
0x75: {  	[tilespmem:s26], [sflag:$0x2] =	stream.linear.gather [spmem:s24], $0x4000, $0x38;
	[tilespmem:$0x1F700] =	vst v63  }
0x76: {  	_ =	swait.ge [sflag:s28], $0x4000  }
0x77: {  	[sflag:s28] =	ssyncset.done $0x0  }
0x78: {  	[sflag:s28] =	ssyncadd.s32 $0xFFFFC000  }
0x79: {  	[hbm4b:s19+s3] =	stream.linear.scatter [tilespmem:s26], [sflag:$0x2], $0x4000, $0x38;
	[tilespmem:$0x1F700] =	vst v63  }
0x7a: {  	_ =	swait.ge [sflag:s28], $0x4000  }
0x7b: {  	[sflag:s28] =	ssyncset.done $0x0  }
0x7c: {  	[sflag:s28] =	ssyncadd.s32 $0xFFFFC000  }
0x7d: {  	[tilespmem:s26], [sflag:$0x2] =	stream.linear.gather [spmem:s25], $0x4000, $0x38;
	[tilespmem:$0x1F700] =	vst v63  }
0x7e: {  	s1 =	sadd.s32 $0x1, s1;
	_ =	swait.ge [sflag:s28], $0x4000  }
0x7f: {  	p0 =	sne.s32 s1, s12;
	[sflag:s28] =	ssyncset.done $0x0  }
.Ltmp1:
0x80: {  	[sflag:s28] =	ssyncadd.s32 $0xFFFFC000;
	(pc) =	sbr.rel @p0 .LBB2_1-.Ltmp1, $4  }
0x81: {  	[hbm4b:s20+s3] =	stream.linear.scatter [tilespmem:s26], [sflag:$0x2], $0x4000, $0x38;
	[tilespmem:$0x1F700] =	vst v63  }
0x82: {  	_ =	swait.ge [sflag:s28], $0x4000  }
0x83: {  	[sflag:s28] =	ssyncset.done $0x0  }
0x84: {  	[sflag:s28] =	ssyncadd.s32 $0xFFFFC000  }
0x85: {  	_ =	sfence.sel $0x180000  }
0x86: {  	[bflag:$0x0] =	sbarrier.arrive $0xFFFF  }
0x87: {  	_ =	strace $0x90000047  }
0x88: {  	s0 =	stileid.u32;
	[bflag:$0x2] =	sbarrier.arrive $0xFFFF  }
0x89: {  	p0 =	sne.s32 s0, $0x0;
	s0 =	rddreg [dreg:$0x3]  }
0x8a: {  	s0 =	sadd.s32 @!p0 $0x100000, s0  }
0x8b: {  	[sflag:s0] =	ssyncadd.tile.s32 @!p0 $0x1;
	_ =	shalt  }
.Lfunc_end2:
_tile_overlayer_lowered:
.L_overlay_start_2:
0x8c: {  	(tag) =	ssettag $0x2  }
0x8d: {  	s0 =	rddreg [dreg:$0x0];
	s2 =	stileid.u32  }
0x8e: {  	s1 =	rddreg [dreg:$0x1];
	p0 =	sne.s32 s2, $0x0  }
0x8f: {  	s3 =	rddreg [dreg:$0x2];
	[bflag:$0x3] =	sbarrier.arrive $0xFFFF;
	s2 =	simm.s32 @!p0 $0x1C02  }
0x90: {  	[timem:s3], [sflag:s2] =	dma.local @!p0 [hbm:s0], s1  }
0x91: {  	s0 =	simm.s32 @!p0 $0x2  }
0x92: {  	_ =	swait.ge @!p0 [sflag:s0], s1  }
0x93: {  	s1 =	ssub.s32 @!p0 $0x0, s1;
	[sflag:s0] =	ssyncset.done @!p0 $0x0  }
0x94: {  	[sflag:s0] =	ssyncadd.s32 @!p0 s1  }
0x95: {  	[bflag:$0x3] =	sbarrier.arrive $0xFFFF  }
0x96: {  	_ =	shalt  }

</sc_bundles>
